<compile_context>
chip_gen: v7x
topology: tpu7x:2x2x1
jax: 0.10.2.dev20260603
libtpu: 0.0.44.dev20260713+nightly
codegen_flags: <defaults>
</compile_context>

<pallas_src>
import functools

import jax
import jax.numpy as jnp
from jax import lax
from jax.experimental import pallas as pl
from jax.experimental.pallas import tpu as pltpu
from jax.experimental.pallas import tpu_sc as plsc

B = 16384
D = 256
K = 1024
COMMIT = 0.25
TEMP = 0.5
BLK = 1024
NC = 2
NS = 16
CHUNK = 2 * B // (NC * NS)


def _vq_kernel(scR_ref, scA_ref, emb_ref, projw_ref, projb_ref,
               qR_ref, qA_ref, lossR_ref, lossA_ref, idxR_ref, idxA_ref,
               cb_ref, cbTs_ref, cbsqs_ref,
               accRR_ref, accAA_ref, accAX_ref, accRX_ref):
    i = pl.program_id(0)
    nsteps = pl.num_programs(0)
    inv_t = 1.0 / max(TEMP, 0.001)

    @pl.when(i == 0)
    def _init():
        cb = jax.lax.dot_general(
            emb_ref[...], projw_ref[...],
            (((1,), (1,)), ((), ())),
            preferred_element_type=jnp.float32) + projb_ref[...]
        cb_ref[...] = cb
        cbT = cb.T
        cbsqs_ref[...] = jnp.sum(cbT * cbT, axis=0, keepdims=True) * inv_t
        cbTs_ref[...] = cbT * (2.0 * inv_t)
        accRR_ref[...] = jnp.zeros_like(accRR_ref)
        accAA_ref[...] = jnp.zeros_like(accAA_ref)
        accAX_ref[...] = jnp.zeros_like(accAX_ref)
        accRX_ref[...] = jnp.zeros_like(accRX_ref)

    cb = cb_ref[...]
    cbTs = cbTs_ref[...]
    cbsqs = cbsqs_ref[...]

    iota = jax.lax.broadcasted_iota(
        jnp.int32, (BLK, K), 1).astype(jnp.float32)

    def process(x, q_ref, idx_ref):
        ts = cbsqs - jnp.dot(x, cbTs, preferred_element_type=jnp.float32)
        tmin = jnp.min(ts, axis=1, keepdims=True)
        e = jnp.exp(tmin - ts)
        se = jnp.sum(e, axis=1, keepdims=True)
        q_ref[...] = jnp.dot(e, cb, preferred_element_type=jnp.float32) * (1.0 / se)
        mask = ts == tmin
        idx = jnp.min(jnp.where(mask, iota, float(K)), axis=1, keepdims=True)
        idx_ref[...] = idx.astype(jnp.int32)
        return ts, tmin, mask

    def ssum(v):
        return jnp.sum(v).reshape(1, 1)

    xR = scR_ref[...]
    xA = scA_ref[...]
    tsR, tminR, maskR = process(xR, qR_ref, idxR_ref)
    tsA, tminA, maskA = process(xA, qA_ref, idxA_ref)

    sxR = ssum(xR * xR)
    sxA = ssum(xA * xA)
    accRR_ref[...] += TEMP * ssum(tminR) + sxR
    accAA_ref[...] += TEMP * ssum(tminA) + sxA
    accAX_ref[...] += TEMP * ssum(jnp.where(maskA, tsR, 0.0)) + sxR
    accRX_ref[...] += TEMP * ssum(jnp.where(maskR, tsA, 0.0)) + sxA

    @pl.when(i == nsteps - 1)
    def _finalize():
        scale = 1.0 / (B * D)
        mseRR = accRR_ref[...] * scale
        mseAA = accAA_ref[...] * scale
        mseAX = accAX_ref[...] * scale
        mseRX = accRX_ref[...] * scale
        lossR_ref[...] = 2.0 * COMMIT * mseRR
        fwd = mseAA + mseRR + 0.5 * mseAX + 0.5 * mseRX
        lossA_ref[...] = 2.0 * COMMIT * mseAA + COMMIT * fwd


def _sc_bincount(idx_all):
    mesh = plsc.VectorSubcoreMesh(core_axis_name="c", subcore_axis_name="s")

    @functools.partial(
        pl.kernel, mesh=mesh,
        out_type=jax.ShapeDtypeStruct((NC * NS, K), jnp.float32),
        scratch_types=[
            pltpu.VMEM((CHUNK,), jnp.int32),
            pltpu.VMEM((K,), jnp.float32),
        ],
        compiler_params=pltpu.CompilerParams(needs_layout_passes=False))
    def k(idx_hbm, out_hbm, idx_v, counts_v):
        c = lax.axis_index("c")
        s = lax.axis_index("s")
        w = c * NS + s
        pltpu.sync_copy(idx_hbm.at[pl.ds(w * CHUNK, CHUNK)], idx_v)
        zeros = jnp.zeros((16,), jnp.float32)

        def zbody(j, carry):
            counts_v[pl.ds(j * 16, 16)] = zeros
            return carry
        lax.fori_loop(0, K // 16, zbody, 0)

        ones = jnp.ones((16,), jnp.float32)

        def body(j, carry):
            iv = idx_v[pl.ds(j * 16, 16)]
            plsc.addupdate_scatter(counts_v, [iv], ones)
            return carry
        lax.fori_loop(0, CHUNK // 16, body, 0)
        pltpu.sync_copy(counts_v, out_hbm.at[w])

    return k(idx_all)


def _perp_kernel(p_ref, perpR_ref, perpA_ref):
    cR = jnp.sum(p_ref[0:NS, :], axis=0, keepdims=True) * (1.0 / B)
    cA = jnp.sum(p_ref[NS:2 * NS, :], axis=0, keepdims=True) * (1.0 / B)
    perpR_ref[...] = jnp.exp(-jnp.sum(cR * jnp.log(cR + 1e-10))).reshape(1, 1)
    perpA_ref[...] = jnp.exp(-jnp.sum(cA * jnp.log(cA + 1e-10))).reshape(1, 1)


@jax.jit
def _run(scR, scA, emb_weight, proj_w, proj_b_row):
    nsteps = B // BLK
    grid = (nsteps,)
    out_shapes = (
        jax.ShapeDtypeStruct((B, D), jnp.float32),
        jax.ShapeDtypeStruct((B, D), jnp.float32),
        jax.ShapeDtypeStruct((1, 1), jnp.float32),
        jax.ShapeDtypeStruct((1, 1), jnp.float32),
        jax.ShapeDtypeStruct((B, 1), jnp.int32),
        jax.ShapeDtypeStruct((B, 1), jnp.int32),
    )
    scalar_spec = pl.BlockSpec((1, 1), lambda i: (0, 0))
    out_specs = (
        pl.BlockSpec((BLK, D), lambda i: (i, 0)),
        pl.BlockSpec((BLK, D), lambda i: (i, 0)),
        scalar_spec, scalar_spec,
        pl.BlockSpec((BLK, 1), lambda i: (i, 0)),
        pl.BlockSpec((BLK, 1), lambda i: (i, 0)),
    )
    in_specs = [
        pl.BlockSpec((BLK, D), lambda i: (i, 0)),
        pl.BlockSpec((BLK, D), lambda i: (i, 0)),
        pl.BlockSpec((K, D), lambda i: (0, 0)),
        pl.BlockSpec((D, D), lambda i: (0, 0)),
        pl.BlockSpec((1, D), lambda i: (0, 0)),
    ]
    scratch = [
        pltpu.VMEM((K, D), jnp.float32),
        pltpu.VMEM((D, K), jnp.float32),
        pltpu.VMEM((1, K), jnp.float32),
        pltpu.VMEM((1, 1), jnp.float32),
        pltpu.VMEM((1, 1), jnp.float32),
        pltpu.VMEM((1, 1), jnp.float32),
        pltpu.VMEM((1, 1), jnp.float32),
    ]
    qR, qA, lossR, lossA, idxR, idxA = pl.pallas_call(
        _vq_kernel,
        grid=grid,
        in_specs=in_specs,
        out_specs=out_specs,
        out_shape=out_shapes,
        scratch_shapes=scratch,
        compiler_params=pltpu.CompilerParams(
            dimension_semantics=("arbitrary",),
        ),
    )(scR, scA, emb_weight, proj_w, proj_b_row)

    idx_all = jnp.concatenate(
        [idxR.reshape(B), idxA.reshape(B)], axis=0)
    partials = _sc_bincount(idx_all)

    perpR, perpA = pl.pallas_call(
        _perp_kernel,
        out_shape=(jax.ShapeDtypeStruct((1, 1), jnp.float32),
                   jax.ShapeDtypeStruct((1, 1), jnp.float32)),
    )(partials)
    return qR, qA, lossR, lossA, perpR, perpA


def kernel(scRNA_semantic, scATAC_semantic, flag, emb_weight, proj_w, proj_b):
    qR, qA, lossR, lossA, perpR, perpA = _run(
        scRNA_semantic, scATAC_semantic, emb_weight, proj_w,
        proj_b.reshape(1, D))
    return (qR, qA, lossR[0, 0], lossA[0, 0], perpR[0, 0], perpA[0, 0])

# --- scband reference (transcript-rebuilt; emitter-appended) ---
"""Pipeline reference for scband-ra-vqvae-encoder-2937757630620 (READ-ONLY COPY).

The authoritative reference and input builder live on the scoring server;
editing this copy changes nothing except your own understanding.
"""

import jax, jax.numpy as jnp
import numpy as np

B = 16384
D = 256
K = 1024
COMMIT = 0.25
TEMP = 0.5


def setup_inputs(seed: int = 0) -> dict:
    key = jax.random.key(seed)
    k1, k2, k3, k4 = jax.random.split(key, 4)
    scRNA_semantic = jax.random.normal(k1, (B, D), dtype=jnp.float32)
    scATAC_semantic = jax.random.normal(k2, (B, D), dtype=jnp.float32)
    # frozen codebook embedding, init normal(0, D**-0.5)
    emb_weight = jax.random.normal(k3, (K, D), dtype=jnp.float32) * (D ** -0.5)
    # embedding_proj Linear(D, D): weight [out,in], bias [out]
    proj_w = jax.random.normal(k4, (D, D), dtype=jnp.float32) * (D ** -0.5)
    proj_b = jnp.zeros((D,), dtype=jnp.float32)
    return {
        "scRNA_semantic": scRNA_semantic,
        "scATAC_semantic": scATAC_semantic,
        "flag": 1,
        "emb_weight": emb_weight,
        "proj_w": proj_w,
        "proj_b": proj_b,
    }


def _mse(a, b):
    return jnp.mean((a - b) ** 2)


def reference(scRNA_semantic, scATAC_semantic, flag, emb_weight, proj_w, proj_b):
    sg = jax.lax.stop_gradient
    scR_flat = sg(scRNA_semantic)
    scA_flat = sg(scATAC_semantic)
    # quant_codebook = embedding_proj(embedding.weight)
    quant_codebook = emb_weight @ proj_w.T + proj_b  # [K, D]

    cb_sq = jnp.sum(quant_codebook ** 2, axis=1)  # [K]
    scR_distances = (jnp.sum(scR_flat ** 2, axis=1, keepdims=True) + cb_sq
                     - 2.0 * scR_flat @ quant_codebook.T)  # [B, K]
    scA_distances = (jnp.sum(scA_flat ** 2, axis=1, keepdims=True) + cb_sq
                     - 2.0 * scA_flat @ quant_codebook.T)  # [B, K]

    temperature = max(TEMP, 0.001)
    scRNA_soft_assign = jax.nn.softmax(-scR_distances / temperature, axis=1)
    scATAC_soft_assign = jax.nn.softmax(-scA_distances / temperature, axis=1)

    scRNA_indices = jnp.argmin(scR_distances, axis=1)  # [B]
    scATAC_indices = jnp.argmin(scA_distances, axis=1)  # [B]
    scRNA_encodings = jax.nn.one_hot(scRNA_indices, K, dtype=scRNA_semantic.dtype)  # [B, K]
    scATAC_encodings = jax.nn.one_hot(scATAC_indices, K, dtype=scATAC_semantic.dtype)

    scRNA_quantized_hard = scRNA_encodings @ quant_codebook  # [B, D]
    scATAC_quantized_hard = scATAC_encodings @ quant_codebook
    scRNA_quantized_soft = scRNA_soft_assign @ quant_codebook
    scATAC_quantized_soft = scATAC_soft_assign @ quant_codebook

    # losses
    scRNA_e_latent_loss = _mse(scRNA_semantic, sg(scRNA_quantized_hard))
    scRNA_loss = 2.0 * COMMIT * scRNA_e_latent_loss
    scATAC_scRNA_vq_forward_loss = (_mse(scATAC_quantized_hard, sg(scATAC_semantic))
                                    + _mse(scRNA_quantized_hard, sg(scRNA_semantic))
                                    + 0.5 * _mse(scATAC_quantized_hard, sg(scRNA_semantic))
                                    + 0.5 * _mse(scRNA_quantized_hard, sg(scATAC_semantic)))
    scATAC_e_latent_loss = _mse(scATAC_semantic, sg(scATAC_quantized_hard))
    scATAC_loss = 2.0 * COMMIT * scATAC_e_latent_loss + COMMIT * scATAC_scRNA_vq_forward_loss

    # straight-through with soft quantized
    scRNA_quantized = scRNA_semantic + sg(scRNA_quantized_soft - scRNA_semantic)
    scATAC_quantized = scATAC_semantic + sg(scATAC_quantized_soft - scATAC_semantic)

    # perplexities
    scRNA_avg_probs = jnp.mean(scRNA_encodings, axis=0)
    scRNA_perplexity = jnp.exp(-jnp.sum(scRNA_avg_probs * jnp.log(scRNA_avg_probs + 1e-10)))
    scATAC_avg_probs = jnp.mean(scATAC_encodings, axis=0)
    scATAC_perplexity = jnp.exp(-jnp.sum(scATAC_avg_probs * jnp.log(scATAC_avg_probs + 1e-10)))

    return (scRNA_quantized, scATAC_quantized, scRNA_loss, scATAC_loss,
            scRNA_perplexity, scATAC_perplexity)

if __name__ == "__main__":
    import jax
    _d = setup_inputs()
    print(jax.jit(kernel)(*tuple(_d.values())))

</pallas_src>

<mosaic_0001>
#map = affine_map<(d0, d1) -> (0)>
#map1 = affine_map<(d0, d1) -> (0, 0)>
module attributes {stable_mosaic.version = 14 : i64} {
  func.func @k(%arg0: i32, %arg1: i32, %arg2: memref<32768xi32, #tpu.memory_space<hbm>>, %arg3: memref<32x1024xf32, #tpu.memory_space<hbm>>, %arg4: memref<1024xi32, #tpu.memory_space<vmem>>, %arg5: memref<1024xf32, #tpu.memory_space<vmem>>) attributes {dimension_semantics = [#tpu.dimension_semantics<core_parallel>, #tpu.dimension_semantics<subcore_parallel>], iteration_bounds = array<i64: 2, 16>, scalar_prefetch = 0 : i64, scratch_operands = 2 : i64, tpu.core_type = #tpu.core_type<sc_vector_subcore>, window_params = [{transform_indices = #map}, {transform_indices = #map1}]} {
    %mul3A = arith.constant 16 : i32
    %mul3A_0 = arith.muli %arg0, %mul3A : i32
    %add3A = arith.addi %mul3A_0, %arg1 : i32
    %mul3A_1 = arith.constant 1024 : i32
    %mul3A_2 = arith.muli %add3A, %mul3A_1 : i32
    "tpu.region"() ({
      %run_scoped3A = tpu.sem_alloc : memref<!tpu.dma_semaphore, #tpu.memory_space<semaphore_mem>>
      %dma_start3A = tpu.memref_slice %arg2[%mul3A_2] : memref<32768xi32, #tpu.memory_space<hbm>> -> memref<1024xi32, #tpu.memory_space<hbm>>
      %dma_start3A_17 = tpu.memref_slice %arg2[%mul3A_2] : memref<32768xi32, #tpu.memory_space<hbm>> -> memref<1024xi32, #tpu.memory_space<hbm>>
      tpu.enqueue_dma source(%dma_start3A_17 : memref<1024xi32, #tpu.memory_space<hbm>>) target(%arg4 : memref<1024xi32, #tpu.memory_space<vmem>>) target_semaphore(%run_scoped3A : memref<!tpu.dma_semaphore, #tpu.memory_space<semaphore_mem>>)
      %dma_wait3A = tpu.memref_slice %arg2[%mul3A_2] : memref<32768xi32, #tpu.memory_space<hbm>> -> memref<1024xi32, #tpu.memory_space<hbm>>
      %dma_wait3A_18 = tpu.memref_slice %arg2[%mul3A_2] : memref<32768xi32, #tpu.memory_space<hbm>> -> memref<1024xi32, #tpu.memory_space<hbm>>
      tpu.wait_dma2 semaphore(%run_scoped3A : memref<!tpu.dma_semaphore, #tpu.memory_space<semaphore_mem>>) src(%dma_wait3A_18 : memref<1024xi32, #tpu.memory_space<hbm>>) dst(%arg4 : memref<1024xi32, #tpu.memory_space<vmem>>)
      tpu.yield
    }) : () -> ()
    %broadcast_in_dim3A = arith.constant 0.000000e+00 : f32
    %broadcast_in_dim3A_3 = vector.broadcast %broadcast_in_dim3A : f32 to vector<16xf32>
    %scan3A = arith.constant 0 : i32
    %scan3A_4 = arith.constant 0 : i32
    %scan3A_5 = arith.constant 64 : i32
    %scan3A_6 = arith.addi %scan3A_4, %scan3A_5 : i32
    %scan3A_7 = arith.constant 1 : i32
    scf.for %scan3A_17 = %scan3A_4 to %scan3A_6 step %scan3A_7  : i32 {
      %mul3A_18 = arith.constant 16 : i32
      %mul3A_19 = arith.muli %scan3A_17, %mul3A_18 : i32
      %swap3A = arith.index_cast %mul3A_19 : i32 to index
      %swap3A_20 = tpu.vector_load %arg5[%swap3A] {strides = array<i32>} : memref<1024xf32, #tpu.memory_space<vmem>>, vector<16xf32>,
      tpu.vector_store %arg5[%swap3A], %broadcast_in_dim3A_3 {strides = array<i32>} : memref<1024xf32, #tpu.memory_space<vmem>>, vector<16xf32>,
    }
    %scan3A_8 = arith.constant 64 : i32
    %broadcast_in_dim3A_9 = arith.constant 1.000000e+00 : f32
    %broadcast_in_dim3A_10 = vector.broadcast %broadcast_in_dim3A_9 : f32 to vector<16xf32>
    %scan3A_11 = arith.constant 0 : i32
    %scan3A_12 = arith.constant 0 : i32
    %scan3A_13 = arith.constant 64 : i32
    %scan3A_14 = arith.addi %scan3A_12, %scan3A_13 : i32
    %scan3A_15 = arith.constant 1 : i32
    scf.for %scan3A_17 = %scan3A_12 to %scan3A_14 step %scan3A_15  : i32 {
      %mul3A_18 = arith.constant 16 : i32
      %mul3A_19 = arith.muli %scan3A_17, %mul3A_18 : i32
      %get3A = arith.index_cast %mul3A_19 : i32 to index
      %get3A_20 = tpu.vector_load %arg4[%get3A] {strides = array<i32>} : memref<1024xi32, #tpu.memory_space<vmem>>, vector<16xi32>,
      tpu.vector_store_idx %arg5[%get3A_20], %broadcast_in_dim3A_10 {add = true} : memref<1024xf32, #tpu.memory_space<vmem>>[vector<16xi32>], vector<16xf32>,
    }
    %scan3A_16 = arith.constant 64 : i32
    "tpu.region"() ({
      %run_scoped3A = tpu.sem_alloc : memref<!tpu.dma_semaphore, #tpu.memory_space<semaphore_mem>>
      %dma_start3A = arith.constant 0 : i32
      %dma_start3A_17 = tpu.memref_slice %arg3[%add3A, %dma_start3A] : memref<32x1024xf32, #tpu.memory_space<hbm>> -> memref<1x1024xf32, #tpu.memory_space<hbm>>
      %dma_start3A_18 = tpu.memref_squeeze %dma_start3A_17 : memref<1x1024xf32, #tpu.memory_space<hbm>> -> memref<1024xf32, #tpu.memory_space<hbm>>
      %dma_start3A_19 = arith.constant 0 : i32
      %dma_start3A_20 = tpu.memref_slice %arg3[%add3A, %dma_start3A_19] : memref<32x1024xf32, #tpu.memory_space<hbm>> -> memref<1x1024xf32, #tpu.memory_space<hbm>>
      %dma_start3A_21 = tpu.memref_squeeze %dma_start3A_20 : memref<1x1024xf32, #tpu.memory_space<hbm>> -> memref<1024xf32, #tpu.memory_space<hbm>>
      tpu.enqueue_dma source(%arg5 : memref<1024xf32, #tpu.memory_space<vmem>>) target(%dma_start3A_21 : memref<1024xf32, #tpu.memory_space<hbm>>) target_semaphore(%run_scoped3A : memref<!tpu.dma_semaphore, #tpu.memory_space<semaphore_mem>>)
      %dma_wait3A = arith.constant 0 : i32
      %dma_wait3A_22 = tpu.memref_slice %arg3[%add3A, %dma_wait3A] : memref<32x1024xf32, #tpu.memory_space<hbm>> -> memref<1x1024xf32, #tpu.memory_space<hbm>>
      %dma_wait3A_23 = tpu.memref_squeeze %dma_wait3A_22 : memref<1x1024xf32, #tpu.memory_space<hbm>> -> memref<1024xf32, #tpu.memory_space<hbm>>
      %dma_wait3A_24 = arith.constant 0 : i32
      %dma_wait3A_25 = tpu.memref_slice %arg3[%add3A, %dma_wait3A_24] : memref<32x1024xf32, #tpu.memory_space<hbm>> -> memref<1x1024xf32, #tpu.memory_space<hbm>>
      %dma_wait3A_26 = tpu.memref_squeeze %dma_wait3A_25 : memref<1x1024xf32, #tpu.memory_space<hbm>> -> memref<1024xf32, #tpu.memory_space<hbm>>
      tpu.wait_dma2 semaphore(%run_scoped3A : memref<!tpu.dma_semaphore, #tpu.memory_space<semaphore_mem>>) src(%arg5 : memref<1024xf32, #tpu.memory_space<vmem>>) dst(%dma_wait3A_26 : memref<1024xf32, #tpu.memory_space<hbm>>)
      tpu.yield
    }) : () -> ()
    return
  }
}

module attributes {stable_mosaic.version = 14 : i64} {
  func.func @_perp_kernel(%arg0: memref<32x1024xf32, #tpu.memory_space<vmem>>, %arg1: memref<1x1xf32, #tpu.memory_space<vmem>>, %arg2: memref<1x1xf32, #tpu.memory_space<vmem>>) attributes {dimension_semantics = [], scalar_prefetch = 0 : i64, scratch_operands = 0 : i64, tpu.core_type = #tpu.core_type<tc>} {
    %get3A = arith.constant 0 : index
    %get3A_0 = arith.constant 0 : index
    %get3A_1 = vector.load %arg0[%get3A, %get3A_0] : memref<32x1024xf32, #tpu.memory_space<vmem>>, vector<16x1024xf32>
    %reduce_sum3A = arith.constant dense<0.000000e+00> : vector<1024xf32>
    %reduce_sum3A_2 = vector.multi_reduction <add>, %get3A_1, %reduce_sum3A [0] : vector<16x1024xf32> to vector<1024xf32>
    %broadcast_in_dim3A = vector.shape_cast %reduce_sum3A_2 : vector<1024xf32> to vector<1x1024xf32>
    %mul3A = arith.constant 6.10351563E-5 : f32
    %mul3A_3 = vector.broadcast %mul3A : f32 to vector<1x1024xf32>
    %mul3A_4 = arith.mulf %broadcast_in_dim3A, %mul3A_3 : vector<1x1024xf32>
    %get3A_5 = arith.constant 16 : index
    %get3A_6 = arith.constant 0 : index
    %get3A_7 = vector.load %arg0[%get3A_5, %get3A_6] : memref<32x1024xf32, #tpu.memory_space<vmem>>, vector<16x1024xf32>
    %reduce_sum3A_8 = arith.constant dense<0.000000e+00> : vector<1024xf32>
    %reduce_sum3A_9 = vector.multi_reduction <add>, %get3A_7, %reduce_sum3A_8 [0] : vector<16x1024xf32> to vector<1024xf32>
    %broadcast_in_dim3A_10 = vector.shape_cast %reduce_sum3A_9 : vector<1024xf32> to vector<1x1024xf32>
    %mul3A_11 = arith.constant 6.10351563E-5 : f32
    %mul3A_12 = vector.broadcast %mul3A_11 : f32 to vector<1x1024xf32>
    %mul3A_13 = arith.mulf %broadcast_in_dim3A_10, %mul3A_12 : vector<1x1024xf32>
    %add3A = arith.constant 1.000000e-10 : f32
    %add3A_14 = vector.broadcast %add3A : f32 to vector<1x1024xf32>
    %add3A_15 = arith.addf %mul3A_4, %add3A_14 : vector<1x1024xf32>
    %log3A = math.log %add3A_15 : vector<1x1024xf32>
    %mul3A_16 = arith.mulf %mul3A_4, %log3A : vector<1x1024xf32>
    %reduce_sum3A_17 = vector.shape_cast %mul3A_16 : vector<1x1024xf32> to vector<1x1x1024xf32>
    %reduce_sum3A_18 = arith.constant dense<0.000000e+00> : vector<1xf32>
    %reduce_sum3A_19 = vector.multi_reduction <add>, %reduce_sum3A_17, %reduce_sum3A_18 [1, 2] : vector<1x1x1024xf32> to vector<1xf32>
    %reduce_sum3A_20 = vector.shape_cast %reduce_sum3A_19 : vector<1xf32> to vector<1x1x1xf32>
    %reduce_sum3A_21 = vector.extract %reduce_sum3A_20[0, 0, 0] : f32 from vector<1x1x1xf32>
    %neg3A = arith.constant 0.000000e+00 : f32
    %neg3A_22 = arith.subf %neg3A, %reduce_sum3A_21 : f32
    %exp3A = math.exp %neg3A_22 : f32
    %reshape3A = vector.broadcast %exp3A : f32 to vector<1x1xf32>
    %swap3A = arith.constant 0 : index
    %swap3A_23 = arith.constant 0 : index
    %swap3A_24 = vector.load %arg1[%swap3A, %swap3A_23] : memref<1x1xf32, #tpu.memory_space<vmem>>, vector<1x1xf32>
    tpu.vector_store %arg1[%swap3A, %swap3A_23], %reshape3A {strides = array<i32>} : memref<1x1xf32, #tpu.memory_space<vmem>>, vector<1x1xf32>,
    %add3A_25 = arith.constant 1.000000e-10 : f32
    %add3A_26 = vector.broadcast %add3A_25 : f32 to vector<1x1024xf32>
    %add3A_27 = arith.addf %mul3A_13, %add3A_26 : vector<1x1024xf32>
    %log3A_28 = math.log %add3A_27 : vector<1x1024xf32>
    %mul3A_29 = arith.mulf %mul3A_13, %log3A_28 : vector<1x1024xf32>
    %reduce_sum3A_30 = vector.shape_cast %mul3A_29 : vector<1x1024xf32> to vector<1x1x1024xf32>
    %reduce_sum3A_31 = arith.constant dense<0.000000e+00> : vector<1xf32>
    %reduce_sum3A_32 = vector.multi_reduction <add>, %reduce_sum3A_30, %reduce_sum3A_31 [1, 2] : vector<1x1x1024xf32> to vector<1xf32>
    %reduce_sum3A_33 = vector.shape_cast %reduce_sum3A_32 : vector<1xf32> to vector<1x1x1xf32>
    %reduce_sum3A_34 = vector.extract %reduce_sum3A_33[0, 0, 0] : f32 from vector<1x1x1xf32>
    %neg3A_35 = arith.constant 0.000000e+00 : f32
    %neg3A_36 = arith.subf %neg3A_35, %reduce_sum3A_34 : f32
    %exp3A_37 = math.exp %neg3A_36 : f32
    %reshape3A_38 = vector.broadcast %exp3A_37 : f32 to vector<1x1xf32>
    %swap3A_39 = arith.constant 0 : index
    %swap3A_40 = arith.constant 0 : index
    %swap3A_41 = vector.load %arg2[%swap3A_39, %swap3A_40] : memref<1x1xf32, #tpu.memory_space<vmem>>, vector<1x1xf32>
    tpu.vector_store %arg2[%swap3A_39, %swap3A_40], %reshape3A_38 {strides = array<i32>} : memref<1x1xf32, #tpu.memory_space<vmem>>, vector<1x1xf32>,
    return
  }
}

module attributes {stable_mosaic.version = 14 : i64} {
  func.func @_vq_kernel(%arg0: i32, %arg1: memref<1024x256xf32, #tpu.memory_space<vmem>>, %arg2: memref<1024x256xf32, #tpu.memory_space<vmem>>, %arg3: memref<1024x256xf32, #tpu.memory_space<vmem>>, %arg4: memref<256x256xf32, #tpu.memory_space<vmem>>, %arg5: memref<1x256xf32, #tpu.memory_space<vmem>>, %arg6: memref<1024x256xf32, #tpu.memory_space<vmem>>, %arg7: memref<1024x256xf32, #tpu.memory_space<vmem>>, %arg8: memref<1x1xf32, #tpu.memory_space<vmem>>, %arg9: memref<1x1xf32, #tpu.memory_space<vmem>>, %arg10: memref<1024x1xi32, #tpu.memory_space<vmem>>, %arg11: memref<1024x1xi32, #tpu.memory_space<vmem>>, %arg12: memref<1024x256xf32, #tpu.memory_space<vmem>>, %arg13: memref<256x1024xf32, #tpu.memory_space<vmem>>, %arg14: memref<1x1024xf32, #tpu.memory_space<vmem>>, %arg15: memref<1x1xf32, #tpu.memory_space<vmem>>, %arg16: memref<1x1xf32, #tpu.memory_space<vmem>>, %arg17: memref<1x1xf32, #tpu.memory_space<vmem>>, %arg18: memref<1x1xf32, #tpu.memory_space<vmem>>) attributes {dimension_semantics = [#tpu.dimension_semantics<arbitrary>], iteration_bounds = array<i64: 16>, scalar_prefetch = 0 : i64, scratch_operands = 7 : i64, tpu.core_type = #tpu.core_type<tc>, window_params = [{transform_indices = @transform_0, window_bounds = array<i64: 1024, 256>}, {transform_indices = @transform_1, window_bounds = array<i64: 1024, 256>}, {pipeline_mode = #tpu.pipeline_mode<synchronous>, transform_indices = @transform_2, window_bounds = array<i64: 1024, 256>}, {pipeline_mode = #tpu.pipeline_mode<synchronous>, transform_indices = @transform_3, window_bounds = array<i64: 256, 256>}, {pipeline_mode = #tpu.pipeline_mode<synchronous>, transform_indices = @transform_4, window_bounds = array<i64: 1, 256>}, {transform_indices = @transform_5, window_bounds = array<i64: 1024, 256>}, {transform_indices = @transform_6, window_bounds = array<i64: 1024, 256>}, {pipeline_mode = #tpu.pipeline_mode<synchronous>, transform_indices = @transform_7, window_bounds = array<i64: 1, 1>}, {pipeline_mode = #tpu.pipeline_mode<synchronous>, transform_indices = @transform_8, window_bounds = array<i64: 1, 1>}, {transform_indices = @transform_9, window_bounds = array<i64: 1024, 1>}, {transform_indices = @transform_10, window_bounds = array<i64: 1024, 1>}]} {
    %eq3A = arith.constant 0 : i32
    %eq3A_0 = arith.cmpi eq, %arg0, %eq3A : i32
    %convert_element_type3A = arith.extui %eq3A_0 : i1 to i32
    %cond3A = arith.constant 0 : i32
    %cond3A_1 = arith.cmpi ne, %convert_element_type3A, %cond3A : i32
    scf.if %cond3A_1 {
      %get3A_167 = arith.constant 0 : index
      %get3A_168 = arith.constant 0 : index
      %get3A_169 = vector.load %arg3[%get3A_167, %get3A_168] : memref<1024x256xf32, #tpu.memory_space<vmem>>, vector<1024x256xf32>
      %get3A_170 = arith.constant 0 : index
      %get3A_171 = arith.constant 0 : index
      %get3A_172 = vector.load %arg4[%get3A_170, %get3A_171] : memref<256x256xf32, #tpu.memory_space<vmem>>, vector<256x256xf32>
      %dot_general3A_173 = arith.constant dense<0.000000e+00> : vector<1024x256xf32>
      %dot_general3A_174 = tpu.matmul %get3A_169, %get3A_172, %dot_general3A_173 {dimension_numbers = #tpu.dot_dimension_numbers<[1], [1], [0], [0], [0, 0, 1, 0], [], []>, transpose_lhs_hint = false} : vector<1024x256xf32>, vector<256x256xf32>, vector<1024x256xf32> -> vector<1024x256xf32>
      %get3A_175 = arith.constant 0 : index
      %get3A_176 = arith.constant 0 : index
      %get3A_177 = vector.load %arg5[%get3A_175, %get3A_176] : memref<1x256xf32, #tpu.memory_space<vmem>>, vector<1x256xf32>
      %add3A_178 = vector.broadcast %get3A_177 : vector<1x256xf32> to vector<1024x256xf32>
      %add3A_179 = arith.addf %dot_general3A_174, %add3A_178 : vector<1024x256xf32>
      %swap3A_180 = arith.constant 0 : index
      %swap3A_181 = arith.constant 0 : index
      %swap3A_182 = vector.load %arg12[%swap3A_180, %swap3A_181] : memref<1024x256xf32, #tpu.memory_space<vmem>>, vector<1024x256xf32>
      tpu.vector_store %arg12[%swap3A_180, %swap3A_181], %add3A_179 {strides = array<i32>} : memref<1024x256xf32, #tpu.memory_space<vmem>>, vector<1024x256xf32>,
      %transpose3A = tpu.transpose %add3A_179, [1, 0] : vector<1024x256xf32> -> vector<256x1024xf32>
      %mul3A_183 = arith.mulf %transpose3A, %transpose3A : vector<256x1024xf32>
      %reduce_sum3A_184 = arith.constant dense<0.000000e+00> : vector<1024xf32>
      %reduce_sum3A_185 = vector.multi_reduction <add>, %mul3A_183, %reduce_sum3A_184 [0] : vector<256x1024xf32> to vector<1024xf32>
      %broadcast_in_dim3A_186 = vector.shape_cast %reduce_sum3A_185 : vector<1024xf32> to vector<1x1024xf32>
      %mul3A_187 = arith.constant 2.000000e+00 : f32
      %mul3A_188 = vector.broadcast %mul3A_187 : f32 to vector<1x1024xf32>
      %mul3A_189 = arith.mulf %broadcast_in_dim3A_186, %mul3A_188 : vector<1x1024xf32>
      %swap3A_190 = arith.constant 0 : index
      %swap3A_191 = arith.constant 0 : index
      %swap3A_192 = vector.load %arg14[%swap3A_190, %swap3A_191] : memref<1x1024xf32, #tpu.memory_space<vmem>>, vector<1x1024xf32>
      tpu.vector_store %arg14[%swap3A_190, %swap3A_191], %mul3A_189 {strides = array<i32>} : memref<1x1024xf32, #tpu.memory_space<vmem>>, vector<1x1024xf32>,
      %mul3A_193 = arith.constant 4.000000e+00 : f32
      %mul3A_194 = vector.broadcast %mul3A_193 : f32 to vector<256x1024xf32>
      %mul3A_195 = arith.mulf %transpose3A, %mul3A_194 : vector<256x1024xf32>
      %swap3A_196 = arith.constant 0 : index
      %swap3A_197 = arith.constant 0 : index
      %swap3A_198 = vector.load %arg13[%swap3A_196, %swap3A_197] : memref<256x1024xf32, #tpu.memory_space<vmem>>, vector<256x1024xf32>
      tpu.vector_store %arg13[%swap3A_196, %swap3A_197], %mul3A_195 {strides = array<i32>} : memref<256x1024xf32, #tpu.memory_space<vmem>>, vector<256x1024xf32>,
      %broadcast_in_dim3A_199 = arith.constant 0.000000e+00 : f32
      %broadcast_in_dim3A_200 = vector.broadcast %broadcast_in_dim3A_199 : f32 to vector<1x1xf32>
      %swap3A_201 = arith.constant 0 : index
      %swap3A_202 = arith.constant 0 : index
      %swap3A_203 = vector.load %arg15[%swap3A_201, %swap3A_202] : memref<1x1xf32, #tpu.memory_space<vmem>>, vector<1x1xf32>
      tpu.vector_store %arg15[%swap3A_201, %swap3A_202], %broadcast_in_dim3A_200 {strides = array<i32>} : memref<1x1xf32, #tpu.memory_space<vmem>>, vector<1x1xf32>,
      %broadcast_in_dim3A_204 = arith.constant 0.000000e+00 : f32
      %broadcast_in_dim3A_205 = vector.broadcast %broadcast_in_dim3A_204 : f32 to vector<1x1xf32>
      %swap3A_206 = arith.constant 0 : index
      %swap3A_207 = arith.constant 0 : index
      %swap3A_208 = vector.load %arg16[%swap3A_206, %swap3A_207] : memref<1x1xf32, #tpu.memory_space<vmem>>, vector<1x1xf32>
      tpu.vector_store %arg16[%swap3A_206, %swap3A_207], %broadcast_in_dim3A_205 {strides = array<i32>} : memref<1x1xf32, #tpu.memory_space<vmem>>, vector<1x1xf32>,
      %broadcast_in_dim3A_209 = arith.constant 0.000000e+00 : f32
      %broadcast_in_dim3A_210 = vector.broadcast %broadcast_in_dim3A_209 : f32 to vector<1x1xf32>
      %swap3A_211 = arith.constant 0 : index
      %swap3A_212 = arith.constant 0 : index
      %swap3A_213 = vector.load %arg17[%swap3A_211, %swap3A_212] : memref<1x1xf32, #tpu.memory_space<vmem>>, vector<1x1xf32>
      tpu.vector_store %arg17[%swap3A_211, %swap3A_212], %broadcast_in_dim3A_210 {strides = array<i32>} : memref<1x1xf32, #tpu.memory_space<vmem>>, vector<1x1xf32>,
      %broadcast_in_dim3A_214 = arith.constant 0.000000e+00 : f32
      %broadcast_in_dim3A_215 = vector.broadcast %broadcast_in_dim3A_214 : f32 to vector<1x1xf32>
      %swap3A_216 = arith.constant 0 : index
      %swap3A_217 = arith.constant 0 : index
      %swap3A_218 = vector.load %arg18[%swap3A_216, %swap3A_217] : memref<1x1xf32, #tpu.memory_space<vmem>>, vector<1x1xf32>
      tpu.vector_store %arg18[%swap3A_216, %swap3A_217], %broadcast_in_dim3A_215 {strides = array<i32>} : memref<1x1xf32, #tpu.memory_space<vmem>>, vector<1x1xf32>,
    } else {
    }
    %get3A = arith.constant 0 : index
    %get3A_2 = arith.constant 0 : index
    %get3A_3 = vector.load %arg12[%get3A, %get3A_2] : memref<1024x256xf32, #tpu.memory_space<vmem>>, vector<1024x256xf32>
    %get3A_4 = arith.constant 0 : index
    %get3A_5 = arith.constant 0 : index
    %get3A_6 = vector.load %arg13[%get3A_4, %get3A_5] : memref<256x1024xf32, #tpu.memory_space<vmem>>, vector<256x1024xf32>
    %get3A_7 = arith.constant 0 : index
    %get3A_8 = arith.constant 0 : index
    %get3A_9 = vector.load %arg14[%get3A_7, %get3A_8] : memref<1x1024xf32, #tpu.memory_space<vmem>>, vector<1x1024xf32>
    %iota3A = tpu.iota {dimensions = array<i32: 1>} : vector<1024x1024xi32>
    %convert_element_type3A_10 = arith.sitofp %iota3A : vector<1024x1024xi32> to vector<1024x1024xf32>
    %get3A_11 = arith.constant 0 : index
    %get3A_12 = arith.constant 0 : index
    %get3A_13 = vector.load %arg1[%get3A_11, %get3A_12] : memref<1024x256xf32, #tpu.memory_space<vmem>>, vector<1024x256xf32>
    %get3A_14 = arith.constant 0 : index
    %get3A_15 = arith.constant 0 : index
    %get3A_16 = vector.load %arg2[%get3A_14, %get3A_15] : memref<1024x256xf32, #tpu.memory_space<vmem>>, vector<1024x256xf32>
    %dot_general3A = arith.constant dense<0.000000e+00> : vector<1024x1024xf32>
    %dot_general3A_17 = tpu.matmul %get3A_13, %get3A_6, %dot_general3A {dimension_numbers = #tpu.dot_dimension_numbers<[1], [0], [0], [1], [0, 0, 1, 1], [], []>, transpose_lhs_hint = false} : vector<1024x256xf32>, vector<256x1024xf32>, vector<1024x1024xf32> -> vector<1024x1024xf32>
    %sub3A = vector.broadcast %get3A_9 : vector<1x1024xf32> to vector<1024x1024xf32>
    %sub3A_18 = arith.subf %sub3A, %dot_general3A_17 : vector<1024x1024xf32>
    %reduce_min3A = arith.constant dense<0x7F800000> : vector<1024xf32>
    %reduce_min3A_19 = vector.multi_reduction <minimumf>, %sub3A_18, %reduce_min3A [1] : vector<1024x1024xf32> to vector<1024xf32>
    %broadcast_in_dim3A = vector.shape_cast %reduce_min3A_19 : vector<1024xf32> to vector<1024x1xf32>
    %sub3A_20 = vector.broadcast %broadcast_in_dim3A : vector<1024x1xf32> to vector<1024x1024xf32>
    %sub3A_21 = arith.subf %sub3A_20, %sub3A_18 : vector<1024x1024xf32>
    %exp3A = math.exp %sub3A_21 : vector<1024x1024xf32>
    %reduce_sum3A = arith.constant dense<0.000000e+00> : vector<1024xf32>
    %reduce_sum3A_22 = vector.multi_reduction <add>, %exp3A, %reduce_sum3A [1] : vector<1024x1024xf32> to vector<1024xf32>
    %broadcast_in_dim3A_23 = vector.shape_cast %reduce_sum3A_22 : vector<1024xf32> to vector<1024x1xf32>
    %dot_general3A_24 = arith.constant dense<0.000000e+00> : vector<1024x256xf32>
    %dot_general3A_25 = tpu.matmul %exp3A, %get3A_3, %dot_general3A_24 {dimension_numbers = #tpu.dot_dimension_numbers<[1], [0], [0], [1], [0, 0, 1, 1], [], []>, transpose_lhs_hint = false} : vector<1024x1024xf32>, vector<1024x256xf32>, vector<1024x256xf32> -> vector<1024x256xf32>
    %div3A = arith.constant 1.000000e+00 : f32
    %div3A_26 = vector.broadcast %div3A : f32 to vector<1024x1xf32>
    %div3A_27 = arith.divf %div3A_26, %broadcast_in_dim3A_23 : vector<1024x1xf32>
    %mul3A = vector.broadcast %div3A_27 : vector<1024x1xf32> to vector<1024x256xf32>
    %mul3A_28 = arith.mulf %dot_general3A_25, %mul3A : vector<1024x256xf32>
    %swap3A = arith.constant 0 : index
    %swap3A_29 = arith.constant 0 : index
    %swap3A_30 = vector.load %arg6[%swap3A, %swap3A_29] : memref<1024x256xf32, #tpu.memory_space<vmem>>, vector<1024x256xf32>
    tpu.vector_store %arg6[%swap3A, %swap3A_29], %mul3A_28 {strides = array<i32>} : memref<1024x256xf32, #tpu.memory_space<vmem>>, vector<1024x256xf32>,
    %eq3A_31 = vector.broadcast %broadcast_in_dim3A : vector<1024x1xf32> to vector<1024x1024xf32>
    %eq3A_32 = arith.cmpf oeq, %sub3A_18, %eq3A_31 : vector<1024x1024xf32>
    %jit3A = arith.constant 1.024000e+03 : f32
    %broadcast_in_dim3A_33 = vector.broadcast %jit3A : f32 to vector<1024x1024xf32>
    %select_n3A = arith.select %eq3A_32, %convert_element_type3A_10, %broadcast_in_dim3A_33 : vector<1024x1024xi1>, vector<1024x1024xf32>
    %reduce_min3A_34 = arith.constant dense<0x7F800000> : vector<1024xf32>
    %reduce_min3A_35 = vector.multi_reduction <minimumf>, %select_n3A, %reduce_min3A_34 [1] : vector<1024x1024xf32> to vector<1024xf32>
    %broadcast_in_dim3A_36 = vector.shape_cast %reduce_min3A_35 : vector<1024xf32> to vector<1024x1xf32>
    %convert_element_type3A_37 = arith.fptosi %broadcast_in_dim3A_36 : vector<1024x1xf32> to vector<1024x1xi32>
    %swap3A_38 = arith.constant 0 : index
    %swap3A_39 = arith.constant 0 : index
    %swap3A_40 = vector.load %arg10[%swap3A_38, %swap3A_39] : memref<1024x1xi32, #tpu.memory_space<vmem>>, vector<1024x1xi32>
    tpu.vector_store %arg10[%swap3A_38, %swap3A_39], %convert_element_type3A_37 {strides = array<i32>} : memref<1024x1xi32, #tpu.memory_space<vmem>>, vector<1024x1xi32>,
    %dot_general3A_41 = arith.constant dense<0.000000e+00> : vector<1024x1024xf32>
    %dot_general3A_42 = tpu.matmul %get3A_16, %get3A_6, %dot_general3A_41 {dimension_numbers = #tpu.dot_dimension_numbers<[1], [0], [0], [1], [0, 0, 1, 1], [], []>, transpose_lhs_hint = false} : vector<1024x256xf32>, vector<256x1024xf32>, vector<1024x1024xf32> -> vector<1024x1024xf32>
    %sub3A_43 = vector.broadcast %get3A_9 : vector<1x1024xf32> to vector<1024x1024xf32>
    %sub3A_44 = arith.subf %sub3A_43, %dot_general3A_42 : vector<1024x1024xf32>
    %reduce_min3A_45 = arith.constant dense<0x7F800000> : vector<1024xf32>
    %reduce_min3A_46 = vector.multi_reduction <minimumf>, %sub3A_44, %reduce_min3A_45 [1] : vector<1024x1024xf32> to vector<1024xf32>
    %broadcast_in_dim3A_47 = vector.shape_cast %reduce_min3A_46 : vector<1024xf32> to vector<1024x1xf32>
    %sub3A_48 = vector.broadcast %broadcast_in_dim3A_47 : vector<1024x1xf32> to vector<1024x1024xf32>
    %sub3A_49 = arith.subf %sub3A_48, %sub3A_44 : vector<1024x1024xf32>
    %exp3A_50 = math.exp %sub3A_49 : vector<1024x1024xf32>
    %reduce_sum3A_51 = arith.constant dense<0.000000e+00> : vector<1024xf32>
    %reduce_sum3A_52 = vector.multi_reduction <add>, %exp3A_50, %reduce_sum3A_51 [1] : vector<1024x1024xf32> to vector<1024xf32>
    %broadcast_in_dim3A_53 = vector.shape_cast %reduce_sum3A_52 : vector<1024xf32> to vector<1024x1xf32>
    %dot_general3A_54 = arith.constant dense<0.000000e+00> : vector<1024x256xf32>
    %dot_general3A_55 = tpu.matmul %exp3A_50, %get3A_3, %dot_general3A_54 {dimension_numbers = #tpu.dot_dimension_numbers<[1], [0], [0], [1], [0, 0, 1, 1], [], []>, transpose_lhs_hint = false} : vector<1024x1024xf32>, vector<1024x256xf32>, vector<1024x256xf32> -> vector<1024x256xf32>
    %div3A_56 = arith.constant 1.000000e+00 : f32
    %div3A_57 = vector.broadcast %div3A_56 : f32 to vector<1024x1xf32>
    %div3A_58 = arith.divf %div3A_57, %broadcast_in_dim3A_53 : vector<1024x1xf32>
    %mul3A_59 = vector.broadcast %div3A_58 : vector<1024x1xf32> to vector<1024x256xf32>
    %mul3A_60 = arith.mulf %dot_general3A_55, %mul3A_59 : vector<1024x256xf32>
    %swap3A_61 = arith.constant 0 : index
    %swap3A_62 = arith.constant 0 : index
    %swap3A_63 = vector.load %arg7[%swap3A_61, %swap3A_62] : memref<1024x256xf32, #tpu.memory_space<vmem>>, vector<1024x256xf32>
    tpu.vector_store %arg7[%swap3A_61, %swap3A_62], %mul3A_60 {strides = array<i32>} : memref<1024x256xf32, #tpu.memory_space<vmem>>, vector<1024x256xf32>,
    %eq3A_64 = vector.broadcast %broadcast_in_dim3A_47 : vector<1024x1xf32> to vector<1024x1024xf32>
    %eq3A_65 = arith.cmpf oeq, %sub3A_44, %eq3A_64 : vector<1024x1024xf32>
    %jit3A_66 = arith.constant 1.024000e+03 : f32
    %broadcast_in_dim3A_67 = vector.broadcast %jit3A_66 : f32 to vector<1024x1024xf32>
    %select_n3A_68 = arith.select %eq3A_65, %convert_element_type3A_10, %broadcast_in_dim3A_67 : vector<1024x1024xi1>, vector<1024x1024xf32>
    %reduce_min3A_69 = arith.constant dense<0x7F800000> : vector<1024xf32>
    %reduce_min3A_70 = vector.multi_reduction <minimumf>, %select_n3A_68, %reduce_min3A_69 [1] : vector<1024x1024xf32> to vector<1024xf32>
    %broadcast_in_dim3A_71 = vector.shape_cast %reduce_min3A_70 : vector<1024xf32> to vector<1024x1xf32>
    %convert_element_type3A_72 = arith.fptosi %broadcast_in_dim3A_71 : vector<1024x1xf32> to vector<1024x1xi32>
    %swap3A_73 = arith.constant 0 : index
    %swap3A_74 = arith.constant 0 : index
    %swap3A_75 = vector.load %arg11[%swap3A_73, %swap3A_74] : memref<1024x1xi32, #tpu.memory_space<vmem>>, vector<1024x1xi32>
    tpu.vector_store %arg11[%swap3A_73, %swap3A_74], %convert_element_type3A_72 {strides = array<i32>} : memref<1024x1xi32, #tpu.memory_space<vmem>>, vector<1024x1xi32>,
    %mul3A_76 = arith.mulf %get3A_13, %get3A_13 : vector<1024x256xf32>
    %reduce_sum3A_77 = vector.shape_cast %mul3A_76 : vector<1024x256xf32> to vector<1x1024x256xf32>
    %reduce_sum3A_78 = arith.constant dense<0.000000e+00> : vector<1xf32>
    %reduce_sum3A_79 = vector.multi_reduction <add>, %reduce_sum3A_77, %reduce_sum3A_78 [1, 2] : vector<1x1024x256xf32> to vector<1xf32>
    %reduce_sum3A_80 = vector.shape_cast %reduce_sum3A_79 : vector<1xf32> to vector<1x1x1xf32>
    %reduce_sum3A_81 = vector.extract %reduce_sum3A_80[0, 0, 0] : f32 from vector<1x1x1xf32>
    %reshape3A = vector.broadcast %reduce_sum3A_81 : f32 to vector<1x1xf32>
    %mul3A_82 = arith.mulf %get3A_16, %get3A_16 : vector<1024x256xf32>
    %reduce_sum3A_83 = vector.shape_cast %mul3A_82 : vector<1024x256xf32> to vector<1x1024x256xf32>
    %reduce_sum3A_84 = arith.constant dense<0.000000e+00> : vector<1xf32>
    %reduce_sum3A_85 = vector.multi_reduction <add>, %reduce_sum3A_83, %reduce_sum3A_84 [1, 2] : vector<1x1024x256xf32> to vector<1xf32>
    %reduce_sum3A_86 = vector.shape_cast %reduce_sum3A_85 : vector<1xf32> to vector<1x1x1xf32>
    %reduce_sum3A_87 = vector.extract %reduce_sum3A_86[0, 0, 0] : f32 from vector<1x1x1xf32>
    %reshape3A_88 = vector.broadcast %reduce_sum3A_87 : f32 to vector<1x1xf32>
    %get3A_89 = arith.constant 0 : index
    %get3A_90 = arith.constant 0 : index
    %get3A_91 = vector.load %arg15[%get3A_89, %get3A_90] : memref<1x1xf32, #tpu.memory_space<vmem>>, vector<1x1xf32>
    %reduce_sum3A_92 = vector.shape_cast %broadcast_in_dim3A : vector<1024x1xf32> to vector<1x1024x1xf32>
    %reduce_sum3A_93 = arith.constant dense<0.000000e+00> : vector<1xf32>
    %reduce_sum3A_94 = vector.multi_reduction <add>, %reduce_sum3A_92, %reduce_sum3A_93 [1, 2] : vector<1x1024x1xf32> to vector<1xf32>
    %reduce_sum3A_95 = vector.shape_cast %reduce_sum3A_94 : vector<1xf32> to vector<1x1x1xf32>
    %reduce_sum3A_96 = vector.extract %reduce_sum3A_95[0, 0, 0] : f32 from vector<1x1x1xf32>
    %reshape3A_97 = vector.broadcast %reduce_sum3A_96 : f32 to vector<1x1xf32>
    %mul3A_98 = arith.constant 5.000000e-01 : f32
    %mul3A_99 = vector.broadcast %mul3A_98 : f32 to vector<1x1xf32>
    %mul3A_100 = arith.mulf %mul3A_99, %reshape3A_97 : vector<1x1xf32>
    %add3A = arith.addf %mul3A_100, %reshape3A : vector<1x1xf32>
    %add3A_101 = arith.addf %get3A_91, %add3A : vector<1x1xf32>
    %swap3A_102 = arith.constant 0 : index
    %swap3A_103 = arith.constant 0 : index
    %swap3A_104 = vector.load %arg15[%swap3A_102, %swap3A_103] : memref<1x1xf32, #tpu.memory_space<vmem>>, vector<1x1xf32>
    tpu.vector_store %arg15[%swap3A_102, %swap3A_103], %add3A_101 {strides = array<i32>} : memref<1x1xf32, #tpu.memory_space<vmem>>, vector<1x1xf32>,
    %get3A_105 = arith.constant 0 : index
    %get3A_106 = arith.constant 0 : index
    %get3A_107 = vector.load %arg16[%get3A_105, %get3A_106] : memref<1x1xf32, #tpu.memory_space<vmem>>, vector<1x1xf32>
    %reduce_sum3A_108 = vector.shape_cast %broadcast_in_dim3A_47 : vector<1024x1xf32> to vector<1x1024x1xf32>
    %reduce_sum3A_109 = arith.constant dense<0.000000e+00> : vector<1xf32>
    %reduce_sum3A_110 = vector.multi_reduction <add>, %reduce_sum3A_108, %reduce_sum3A_109 [1, 2] : vector<1x1024x1xf32> to vector<1xf32>
    %reduce_sum3A_111 = vector.shape_cast %reduce_sum3A_110 : vector<1xf32> to vector<1x1x1xf32>
    %reduce_sum3A_112 = vector.extract %reduce_sum3A_111[0, 0, 0] : f32 from vector<1x1x1xf32>
    %reshape3A_113 = vector.broadcast %reduce_sum3A_112 : f32 to vector<1x1xf32>
    %mul3A_114 = arith.constant 5.000000e-01 : f32
    %mul3A_115 = vector.broadcast %mul3A_114 : f32 to vector<1x1xf32>
    %mul3A_116 = arith.mulf %mul3A_115, %reshape3A_113 : vector<1x1xf32>
    %add3A_117 = arith.addf %mul3A_116, %reshape3A_88 : vector<1x1xf32>
    %add3A_118 = arith.addf %get3A_107, %add3A_117 : vector<1x1xf32>
    %swap3A_119 = arith.constant 0 : index
    %swap3A_120 = arith.constant 0 : index
    %swap3A_121 = vector.load %arg16[%swap3A_119, %swap3A_120] : memref<1x1xf32, #tpu.memory_space<vmem>>, vector<1x1xf32>
    tpu.vector_store %arg16[%swap3A_119, %swap3A_120], %add3A_118 {strides = array<i32>} : memref<1x1xf32, #tpu.memory_space<vmem>>, vector<1x1xf32>,
    %get3A_122 = arith.constant 0 : index
    %get3A_123 = arith.constant 0 : index
    %get3A_124 = vector.load %arg17[%get3A_122, %get3A_123] : memref<1x1xf32, #tpu.memory_space<vmem>>, vector<1x1xf32>
    %jit3A_125 = arith.constant 0.000000e+00 : f32
    %broadcast_in_dim3A_126 = vector.broadcast %jit3A_125 : f32 to vector<1024x1024xf32>
    %select_n3A_127 = arith.select %eq3A_65, %sub3A_18, %broadcast_in_dim3A_126 : vector<1024x1024xi1>, vector<1024x1024xf32>
    %reduce_sum3A_128 = vector.shape_cast %select_n3A_127 : vector<1024x1024xf32> to vector<1x1024x1024xf32>
    %reduce_sum3A_129 = arith.constant dense<0.000000e+00> : vector<1xf32>
    %reduce_sum3A_130 = vector.multi_reduction <add>, %reduce_sum3A_128, %reduce_sum3A_129 [1, 2] : vector<1x1024x1024xf32> to vector<1xf32>
    %reduce_sum3A_131 = vector.shape_cast %reduce_sum3A_130 : vector<1xf32> to vector<1x1x1xf32>
    %reduce_sum3A_132 = vector.extract %reduce_sum3A_131[0, 0, 0] : f32 from vector<1x1x1xf32>
    %reshape3A_133 = vector.broadcast %reduce_sum3A_132 : f32 to vector<1x1xf32>
    %mul3A_134 = arith.constant 5.000000e-01 : f32
    %mul3A_135 = vector.broadcast %mul3A_134 : f32 to vector<1x1xf32>
    %mul3A_136 = arith.mulf %mul3A_135, %reshape3A_133 : vector<1x1xf32>
    %add3A_137 = arith.addf %mul3A_136, %reshape3A : vector<1x1xf32>
    %add3A_138 = arith.addf %get3A_124, %add3A_137 : vector<1x1xf32>
    %swap3A_139 = arith.constant 0 : index
    %swap3A_140 = arith.constant 0 : index
    %swap3A_141 = vector.load %arg17[%swap3A_139, %swap3A_140] : memref<1x1xf32, #tpu.memory_space<vmem>>, vector<1x1xf32>
    tpu.vector_store %arg17[%swap3A_139, %swap3A_140], %add3A_138 {strides = array<i32>} : memref<1x1xf32, #tpu.memory_space<vmem>>, vector<1x1xf32>,
    %get3A_142 = arith.constant 0 : index
    %get3A_143 = arith.constant 0 : index
    %get3A_144 = vector.load %arg18[%get3A_142, %get3A_143] : memref<1x1xf32, #tpu.memory_space<vmem>>, vector<1x1xf32>
    %jit3A_145 = arith.constant 0.000000e+00 : f32
    %broadcast_in_dim3A_146 = vector.broadcast %jit3A_145 : f32 to vector<1024x1024xf32>
    %select_n3A_147 = arith.select %eq3A_32, %sub3A_44, %broadcast_in_dim3A_146 : vector<1024x1024xi1>, vector<1024x1024xf32>
    %reduce_sum3A_148 = vector.shape_cast %select_n3A_147 : vector<1024x1024xf32> to vector<1x1024x1024xf32>
    %reduce_sum3A_149 = arith.constant dense<0.000000e+00> : vector<1xf32>
    %reduce_sum3A_150 = vector.multi_reduction <add>, %reduce_sum3A_148, %reduce_sum3A_149 [1, 2] : vector<1x1024x1024xf32> to vector<1xf32>
    %reduce_sum3A_151 = vector.shape_cast %reduce_sum3A_150 : vector<1xf32> to vector<1x1x1xf32>
    %reduce_sum3A_152 = vector.extract %reduce_sum3A_151[0, 0, 0] : f32 from vector<1x1x1xf32>
    %reshape3A_153 = vector.broadcast %reduce_sum3A_152 : f32 to vector<1x1xf32>
    %mul3A_154 = arith.constant 5.000000e-01 : f32
    %mul3A_155 = vector.broadcast %mul3A_154 : f32 to vector<1x1xf32>
    %mul3A_156 = arith.mulf %mul3A_155, %reshape3A_153 : vector<1x1xf32>
    %add3A_157 = arith.addf %mul3A_156, %reshape3A_88 : vector<1x1xf32>
    %add3A_158 = arith.addf %get3A_144, %add3A_157 : vector<1x1xf32>
    %swap3A_159 = arith.constant 0 : index
    %swap3A_160 = arith.constant 0 : index
    %swap3A_161 = vector.load %arg18[%swap3A_159, %swap3A_160] : memref<1x1xf32, #tpu.memory_space<vmem>>, vector<1x1xf32>
    tpu.vector_store %arg18[%swap3A_159, %swap3A_160], %add3A_158 {strides = array<i32>} : memref<1x1xf32, #tpu.memory_space<vmem>>, vector<1x1xf32>,
    %eq3A_162 = arith.constant 15 : i32
    %eq3A_163 = arith.cmpi eq, %arg0, %eq3A_162 : i32
    %convert_element_type3A_164 = arith.extui %eq3A_163 : i1 to i32
    %cond3A_165 = arith.constant 0 : i32
    %cond3A_166 = arith.cmpi ne, %convert_element_type3A_164, %cond3A_165 : i32
    scf.if %cond3A_166 {
      %get3A_167 = arith.constant 0 : index
      %get3A_168 = arith.constant 0 : index
      %get3A_169 = vector.load %arg15[%get3A_167, %get3A_168] : memref<1x1xf32, #tpu.memory_space<vmem>>, vector<1x1xf32>
      %mul3A_170 = arith.constant 2.38418579E-7 : f32
      %mul3A_171 = vector.broadcast %mul3A_170 : f32 to vector<1x1xf32>
      %mul3A_172 = arith.mulf %get3A_169, %mul3A_171 : vector<1x1xf32>
      %get3A_173 = arith.constant 0 : index
      %get3A_174 = arith.constant 0 : index
      %get3A_175 = vector.load %arg16[%get3A_173, %get3A_174] : memref<1x1xf32, #tpu.memory_space<vmem>>, vector<1x1xf32>
      %mul3A_176 = arith.constant 2.38418579E-7 : f32
      %mul3A_177 = vector.broadcast %mul3A_176 : f32 to vector<1x1xf32>
      %mul3A_178 = arith.mulf %get3A_175, %mul3A_177 : vector<1x1xf32>
      %get3A_179 = arith.constant 0 : index
      %get3A_180 = arith.constant 0 : index
      %get3A_181 = vector.load %arg17[%get3A_179, %get3A_180] : memref<1x1xf32, #tpu.memory_space<vmem>>, vector<1x1xf32>
      %mul3A_182 = arith.constant 2.38418579E-7 : f32
      %mul3A_183 = vector.broadcast %mul3A_182 : f32 to vector<1x1xf32>
      %mul3A_184 = arith.mulf %get3A_181, %mul3A_183 : vector<1x1xf32>
      %get3A_185 = arith.constant 0 : index
      %get3A_186 = arith.constant 0 : index
      %get3A_187 = vector.load %arg18[%get3A_185, %get3A_186] : memref<1x1xf32, #tpu.memory_space<vmem>>, vector<1x1xf32>
      %mul3A_188 = arith.constant 2.38418579E-7 : f32
      %mul3A_189 = vector.broadcast %mul3A_188 : f32 to vector<1x1xf32>
      %mul3A_190 = arith.mulf %get3A_187, %mul3A_189 : vector<1x1xf32>
      %mul3A_191 = arith.constant 5.000000e-01 : f32
      %mul3A_192 = vector.broadcast %mul3A_191 : f32 to vector<1x1xf32>
      %mul3A_193 = arith.mulf %mul3A_192, %mul3A_172 : vector<1x1xf32>
      %swap3A_194 = arith.constant 0 : index
      %swap3A_195 = arith.constant 0 : index
      %swap3A_196 = vector.load %arg8[%swap3A_194, %swap3A_195] : memref<1x1xf32, #tpu.memory_space<vmem>>, vector<1x1xf32>
      tpu.vector_store %arg8[%swap3A_194, %swap3A_195], %mul3A_193 {strides = array<i32>} : memref<1x1xf32, #tpu.memory_space<vmem>>, vector<1x1xf32>,
      %add3A_197 = arith.addf %mul3A_178, %mul3A_172 : vector<1x1xf32>
      %mul3A_198 = arith.constant 5.000000e-01 : f32
      %mul3A_199 = vector.broadcast %mul3A_198 : f32 to vector<1x1xf32>
      %mul3A_200 = arith.mulf %mul3A_199, %mul3A_184 : vector<1x1xf32>
      %add3A_201 = arith.addf %add3A_197, %mul3A_200 : vector<1x1xf32>
      %mul3A_202 = arith.constant 5.000000e-01 : f32
      %mul3A_203 = vector.broadcast %mul3A_202 : f32 to vector<1x1xf32>
      %mul3A_204 = arith.mulf %mul3A_203, %mul3A_190 : vector<1x1xf32>
      %add3A_205 = arith.addf %add3A_201, %mul3A_204 : vector<1x1xf32>
      %mul3A_206 = arith.constant 5.000000e-01 : f32
      %mul3A_207 = vector.broadcast %mul3A_206 : f32 to vector<1x1xf32>
      %mul3A_208 = arith.mulf %mul3A_207, %mul3A_178 : vector<1x1xf32>
      %mul3A_209 = arith.constant 2.500000e-01 : f32
      %mul3A_210 = vector.broadcast %mul3A_209 : f32 to vector<1x1xf32>
      %mul3A_211 = arith.mulf %mul3A_210, %add3A_205 : vector<1x1xf32>
      %add3A_212 = arith.addf %mul3A_208, %mul3A_211 : vector<1x1xf32>
      %swap3A_213 = arith.constant 0 : index
      %swap3A_214 = arith.constant 0 : index
      %swap3A_215 = vector.load %arg9[%swap3A_213, %swap3A_214] : memref<1x1xf32, #tpu.memory_space<vmem>>, vector<1x1xf32>
      tpu.vector_store %arg9[%swap3A_213, %swap3A_214], %add3A_212 {strides = array<i32>} : memref<1x1xf32, #tpu.memory_space<vmem>>, vector<1x1xf32>,
    } else {
    }
    return
  }
  func.func @transform_0(%arg0: i32) -> (i32, i32) {
    %c0_i32 = arith.constant 0 : i32
    %c0_i32_0 = arith.constant 0 : i32
    return %arg0, %c0_i32 : i32, i32
  }
  func.func @transform_1(%arg0: i32) -> (i32, i32) {
    %c0_i32 = arith.constant 0 : i32
    %c0_i32_0 = arith.constant 0 : i32
    return %arg0, %c0_i32 : i32, i32
  }
  func.func @transform_2(%arg0: i32) -> (i32, i32) {
    %c0_i32 = arith.constant 0 : i32
    %c0_i32_0 = arith.constant 0 : i32
    %c0_i32_1 = arith.constant 0 : i32
    return %c0_i32, %c0_i32_0 : i32, i32
  }
  func.func @transform_3(%arg0: i32) -> (i32, i32) {
    %c0_i32 = arith.constant 0 : i32
    %c0_i32_0 = arith.constant 0 : i32
    %c0_i32_1 = arith.constant 0 : i32
    return %c0_i32, %c0_i32_0 : i32, i32
  }
  func.func @transform_4(%arg0: i32) -> (i32, i32) {
    %c0_i32 = arith.constant 0 : i32
    %c0_i32_0 = arith.constant 0 : i32
    %c0_i32_1 = arith.constant 0 : i32
    return %c0_i32, %c0_i32_0 : i32, i32
  }
  func.func @transform_5(%arg0: i32) -> (i32, i32) {
    %c0_i32 = arith.constant 0 : i32
    %c0_i32_0 = arith.constant 0 : i32
    return %arg0, %c0_i32 : i32, i32
  }
  func.func @transform_6(%arg0: i32) -> (i32, i32) {
    %c0_i32 = arith.constant 0 : i32
    %c0_i32_0 = arith.constant 0 : i32
    return %arg0, %c0_i32 : i32, i32
  }
  func.func @transform_7(%arg0: i32) -> (i32, i32) {
    %c0_i32 = arith.constant 0 : i32
    %c0_i32_0 = arith.constant 0 : i32
    %c0_i32_1 = arith.constant 0 : i32
    return %c0_i32, %c0_i32_0 : i32, i32
  }
  func.func @transform_8(%arg0: i32) -> (i32, i32) {
    %c0_i32 = arith.constant 0 : i32
    %c0_i32_0 = arith.constant 0 : i32
    %c0_i32_1 = arith.constant 0 : i32
    return %c0_i32, %c0_i32_0 : i32, i32
  }
  func.func @transform_9(%arg0: i32) -> (i32, i32) {
    %c0_i32 = arith.constant 0 : i32
    %c0_i32_0 = arith.constant 0 : i32
    return %arg0, %c0_i32 : i32, i32
  }
  func.func @transform_10(%arg0: i32) -> (i32, i32) {
    %c0_i32 = arith.constant 0 : i32
    %c0_i32_0 = arith.constant 0 : i32
    return %arg0, %c0_i32 : i32, i32
  }
}

</mosaic_0001>

<sc_bundles>
// kernel: _run.5.cloned.1.call-start
scs
__scs_entry_jumppad:
0x0: {  	(pc) =	sbr.rel $0x88, $3  }
0x1: {  	(tag) =	ssettag $0x0;
	lr =	simm.s32 $0x1  }
0x2: {  	[smem:$0x3F9C] =	sst lr;
	_ =	strace $0xD0000000  }
0x3: {  	_ = 	snop  }
0x4: {  	_ = 	snop  }
0x5: {  	_ = 	snop  }
0x6: {  	_ = 	snop  }
0x7: {  	_ = 	snop  }
__scs_overlays_trampoline_lowered:
0x8: {  	[smem:$0x3FAB] =	sst s0  }
0x9: {  	[smem:$0x3FAC] =	sst s1  }
0xa: {  	[smem:$0x3FAD] =	sst s2  }
0xb: {  	[smem:$0x3FAE] =	sst s3  }
0xc: {  	[smem:$0x3FAF] =	sst s4  }
0xd: {  	[smem:$0x3FB0] =	sst s5  }
0xe: {  	[smem:$0x3FB1] =	sst s6  }
0xf: {  	[smem:$0x3FB2] =	sst s7  }
0x10: {  	[smem:$0x3FB3] =	sst s8  }
0x11: {  	[smem:$0x3FB4] =	sst s9;
	s0 =	simm.s32 @!p0 $0x0  }
0x12: {  	s1 =	sld [smem:$0x3F9A];
	s0 =	simm.s32 @p0 $0x1  }
0x13: {  	[smem:$0x3FB5] =	sst s0;
	s0 =	simm.s32 @!p1 $0x0  }
0x14: {  	s2 =	sld [smem:$0x3F99];
	s0 =	simm.s32 @p1 $0x1  }
0x15: {  	[smem:$0x3FB6] =	sst s0;
	s0 =	simm.s32 @!p2 $0x0  }
0x16: {  	s3 =	sld [smem:$0x3FDB];
	s0 =	simm.s32 @p2 $0x1  }
0x17: {  	s4 =	simm.s32 $0x1BF5;
	[smem:$0x3FB8] =	sst s0  }
0x18: {  	s0 =	sld [smem:$0x3F9B];
	_ =	swait.ge [sflag:s4], $0x0  }
0x19: {  	s7 =	sld [smem:$0x3F9C]  }
0x1a: {  	s8 =	sadd.s32 $0xFFFFE003, lr  }
0x1b: {  	s9 =	sadd.s32 $0xFFFFFEF7, lr;
	s5 =	simm.s32 $0xFFFFFFFF;
	p2 =	slt.u32 s8, $0xFFFFF086  }
0x1c: {  	p1 =	slt.u32 s9, $0xF7A;
	s5 =	simm.s32 @!p2 $0x0  }
0x1d: {  	s5 =	simm.s32 @p1 $0x1;
	p0 =	seq.s32 s7, s2  }
0x1e: {  	s7 =	smul.u32 @!p0 $0xF7A, s2;
	p2 =	seq.s32 @!p0 s5, $0x0  }
0x1f: {  	s9 =	smul.u32 $0xF7A, s1;
	s8 =	simm.s32 @!p0 $0x1BF5;
	p2 =	por !p2, p0  }
0x20: {  	[sflag:s8] =	ssyncset.s32 @!p0 $0xFFFFF086;
	s6 =	sadd.s32 @!p0 s3, s7;
	s7 =	simm.s32 @!p0 $0x108  }
0x21: {  	s3 =	sadd.s32 s3, s9;
	s6 =	sadd.s32 @!p0 $0x88, s6;
	s7 =	simm.s32 @p2 $0x1082  }
0x22: {  	[simem:s7], [sflag:s8] =	dma.local @!p0 [hbm:s6], $0xF7A  }
0x23: {  	s9 =	sor.u32 $0xD0000000, s2;
	s6 =	simm.s32 $0x108;
	_ =	swait.ge @!p0 [sflag:s8], $0x0  }
0x24: {  	s3 =	sadd.s32 $0x88, s3;
	s6 =	simm.s32 @!p1 $0x1082;
	[sflag:s4] =	ssyncset.s32 $0xFFFFF086  }
0x25: {  	[simem:s6], [sflag:s4] =	dma.local [hbm:s3], $0xF7A  }
0x26: {  	[smem:$0x3F9C] =	sst s1;
	(tag) =	ssettag s2;
	_ =	strace s9  }
0x27: {  	s1 =	sld [smem:$0x3FAC]  }
0x28: {  	s2 =	sld [smem:$0x3FAD]  }
0x29: {  	s4 =	sld [smem:$0x3FAF]  }
0x2a: {  	p0 =	seq.s32 s5, $0x0;
	s5 =	sld [smem:$0x3FB0]  }
0x2b: {  	s6 =	sld [smem:$0x3FB1]  }
0x2c: {  	s7 =	sld [smem:$0x3FB2]  }
0x2d: {  	s3 =	simm.s32 $0x108;
	s8 =	sld [smem:$0x3FB3]  }
0x2e: {  	s3 =	simm.s32 @!p0 $0x1082;
	s9 =	sld [smem:$0x3FB4]  }
0x2f: {  	lr =	sadd.s32 s0, s3;
	s0 =	sld [smem:$0x3FAB]  }
0x30: {  	s3 =	sld [smem:$0x3FAE]  }
0x31: {  	[smem:$0x3FB7] =	sst s10  }
0x32: {  	s10 =	sld [smem:$0x3FB5];
	_ =	sdelay $0x3  }
0x33: {  	p0 =	seq.s32 s10, $0x1;
	s10 =	sld [smem:$0x3FB7];
	_ =	sdelay $0x3  }
0x34: {  	[smem:$0x3FB7] =	sst s10  }
0x35: {  	s10 =	sld [smem:$0x3FB6];
	_ =	sdelay $0x3  }
0x36: {  	p1 =	seq.s32 s10, $0x1;
	s10 =	sld [smem:$0x3FB7];
	_ =	sdelay $0x3  }
0x37: {  	[smem:$0x3FB7] =	sst s10  }
0x38: {  	s10 =	sld [smem:$0x3FB8]  }
0x39: {  	_ = 	snop;
	(pc) =	sbr.ind lr, $3  }
0x3a: {  	_ = 	snop  }
0x3b: {  	_ = 	snop  }
0x3c: {  	p2 =	seq.s32 s10, $0x1;
	s10 =	sld [smem:$0x3FB7]  }
0x3d: {  	_ =	shalt  }
0x3e: {  	_ =	shalt  }
0x3f: {  	_ =	shalt  }
0x40: {  	_ =	shalt  }
0x41: {  	_ =	shalt  }
0x42: {  	_ =	shalt  }
0x43: {  	_ =	shalt  }
0x44: {  	_ =	shalt  }
0x45: {  	_ =	shalt  }
0x46: {  	_ =	shalt  }
0x47: {  	_ =	shalt  }
0x48: {  	_ =	shalt  }
0x49: {  	_ =	shalt  }
0x4a: {  	_ =	shalt  }
0x4b: {  	_ =	shalt  }
0x4c: {  	_ =	shalt  }
0x4d: {  	_ =	shalt  }
0x4e: {  	_ =	shalt  }
0x4f: {  	_ =	shalt  }
0x50: {  	_ =	shalt  }
0x51: {  	_ =	shalt  }
0x52: {  	_ =	shalt  }
0x53: {  	_ =	shalt  }
0x54: {  	_ =	shalt  }
0x55: {  	_ =	shalt  }
0x56: {  	_ =	shalt  }
0x57: {  	_ =	shalt  }
0x58: {  	_ =	shalt  }
0x59: {  	_ =	shalt  }
0x5a: {  	_ =	shalt  }
0x5b: {  	_ =	shalt  }
0x5c: {  	_ =	shalt  }
0x5d: {  	_ =	shalt  }
0x5e: {  	_ =	shalt  }
0x5f: {  	_ =	shalt  }
0x60: {  	_ =	shalt  }
0x61: {  	_ =	shalt  }
0x62: {  	_ =	shalt  }
0x63: {  	_ =	shalt  }
0x64: {  	_ =	shalt  }
0x65: {  	_ =	shalt  }
0x66: {  	_ =	shalt  }
0x67: {  	_ =	shalt  }
0x68: {  	_ =	shalt  }
0x69: {  	_ =	shalt  }
0x6a: {  	_ =	shalt  }
0x6b: {  	_ =	shalt  }
0x6c: {  	_ =	shalt  }
0x6d: {  	_ =	shalt  }
0x6e: {  	_ =	shalt  }
0x6f: {  	_ =	shalt  }
0x70: {  	_ =	shalt  }
0x71: {  	_ =	shalt  }
0x72: {  	_ =	shalt  }
0x73: {  	_ =	shalt  }
0x74: {  	_ =	shalt  }
0x75: {  	_ =	shalt  }
0x76: {  	_ =	shalt  }
0x77: {  	_ =	shalt  }
0x78: {  	_ =	shalt  }
0x79: {  	_ =	shalt  }
0x7a: {  	_ =	shalt  }
0x7b: {  	_ =	shalt  }
0x7c: {  	_ =	shalt  }
0x7d: {  	_ =	shalt  }
0x7e: {  	_ =	shalt  }
0x7f: {  	_ =	shalt  }
0x80: {  	_ =	shalt  }
0x81: {  	_ =	shalt  }
0x82: {  	_ =	shalt  }
0x83: {  	_ =	shalt  }
0x84: {  	_ =	shalt  }
0x85: {  	_ =	shalt  }
0x86: {  	_ =	shalt  }
0x87: {  	_ =	shalt  }
.Lfunc_end0:
.L_simem_size_0:
called_computation_lowered:
.L_overlay_start_0:
0x88: {  	s2 =	sld [smem:$0x3FD9]  }
0x89: {  	s3 =	sld [smem:$0x3FFE];
	_ =	sdelay $0x1  }
0x8a: {  	s1 =	srdreg.scid  }
0x8b: {  	s0 =	sand.u32 $0x1, s1  }
0x8c: {  	s16 =	sshll.u32 s0, $0xA;
	s2 =	sadd.s32 s3, s2  }
0x8d: {  	s2 =	sadd.s32 s2, s16  }
0x8e: {  	[smem:$0x3FC3] =	sst s2  }
0x8f: {  	_ = 	snop  }
0x90: {  	(tm) =	ssettm $0x1  }
0x91: {  	s17 =	sld [smem:$0x3FFB];
	_ =	sdelay $0x3  }
0x92: {  	_ =	strace s17  }
0x93: {  	s2 =	sld [smem:$0x3FFC];
	_ =	sdelay $0x3  }
0x94: {  	_ =	strace s2  }
0x95: {  	s2 =	sld [smem:$0x3FFD];
	_ =	sdelay $0x3  }
0x96: {  	_ =	strace s2  }
0x97: {  	_ =	strace $0x8FFFFFFF  }
0x98: {  	s18 =	sld [smem:$0x3FDB];
	_ =	sdelay $0x1  }
0x99: {  	s19 =	simm.s32 $_scs_section_size  }
0x9a: {  	s4 =	simm.s32 $_size__tile_overlayer_lowered;
	s5 =	simm.s32 $_tile_overlayer_lowered  }
0x9b: {  	s22 =	simm.s32 $0x1BFF;
	s21 =	sshll.u32 s5, $0x1;
	s2 =	sadd.s32 s19, s18  }
0x9c: {  	s6 =	simm.s32 $0x0;
	s20 =	sshll.u32 s4, $0x1;
	s4 =	sadd.s32 s21, s2  }
0x9d: {  	[timem:s6], [sflag:s22] =	dma.local [hbm:s4], s20  }
0x9e: {  	_ =	swait.ge [sflag:s22], s20  }
0x9f: {  	s3 =	ssub.s32 $0x0, s20;
	[sflag:s22] =	ssyncset.done $0x0  }
0xa0: {  	[sflag:s22] =	ssyncadd.s32 s3;
	_ =	sdelay $0x1  }
0xa1: {  	s23 =	simm.s32 $0x1B8B  }
0xa2: {  	_ =	swait.ge [sflag:s23], $0x1  }
0xa3: {  	[sflag:s23] =	ssyncset.done $0x0  }
0xa4: {  	s25 =	simm.s32 $0x1B8E;
	s24 =	sld [smem:$0x3FFE];
	[sflag:s23] =	ssyncadd.s32 $0xFFFFFFFF  }
0xa5: {  	s26 =	simm.s32 $execute0_lowered;
	[smem:$0x3FD2] =	sst s25  }
0xa6: {  	s4 =	sshll.u32 s26, $0x1;
	_ =	strace $0x80000046;
	[dreg:$0x1] =	wrdreg $0xFFFFFFFF  }
0xa7: {  	s28 =	simm.s32 $_size_execute0_lowered;
	s2 =	sadd.s32 s2, s4;
	[dreg:$0x0] =	wrdreg $0x0  }
0xa8: {  	s4 =	sshll.u32 s28, $0x1;
	[dreg:$0x2] =	wrdreg s2  }
0xa9: {  	[dreg:$0x3] =	wrdreg s4  }
0xaa: {  	[dreg:$0x4] =	wrdreg $0xC0  }
0xab: {  	_ =	task [dreg:s6], $0x5FFFF  }
0xac: {  	[dreg:$0x1] =	wrdreg $0xFFFFFFFF  }
0xad: {  	[dreg:$0x0] =	wrdreg $0x60  }
0xae: {  	[dreg:$0x2] =	wrdreg s24  }
0xaf: {  	[dreg:$0x3] =	wrdreg $0x9  }
0xb0: {  	_ =	task.clear_ibuf [dreg:s6], $0x4FFFF;
	_ =	strace $0x90000046  }
0xb1: {  	s29 =	simm.s32 $0x9;
	_ =	strace $0x80000048  }
0xb2: {  	_ =	swait.ge [sflag:s29], $0x1  }
0xb3: {  	[sflag:s29] =	ssyncadd.s32 $0xFFFFFFFF  }
0xb4: {  	_ =	strace $0x90000048  }
0xb5: {  	_ =	sfence  }
0xb6: {  	s30 =	sld [smem:$0x0];
	_ =	sdelay $0x2  }
0xb7: {  	s31 =	sshll.u32 s1, $0xD;
	s1 =	sshrl.u32 s1, $0x2  }
0xb8: {  	s3 =	sand.u32 $0x4000, s31;
	s1 =	sadd.s32 s1, s30  }
0xb9: {  	s0 =	sor.u32 s3, s0;
	s1 =	sshll.u32 s1, $0x11  }
0xba: {  	s0 =	sor.u32 s1, s0  }
0xbb: {  	s0 =	sadd.s32 $0x8F2B, s0  }
0xbc: {  	[sflag:s0] =	ssyncadd.remote.s32 $0x1  }
0xbd: {  	_ =	sfence.sel $0xFFFF  }
0xbe: {  	[dreg:$0x0] =	wrdreg $0xFFFFFFFF;
	(pc) =	sbr.abs _section_cstart, $3  }
0xbf: {  	[dreg:$0x1] =	wrdreg $0xFFFFFFFF  }
0xc0: {  	_ =	task.clear_ibuf [dreg:s6], $0x2FFFF;
	_ =	strace $0x9FFFFFFF  }
0xc1: {  	(tm) =	ssettm $0x7FFFFFFF  }
tec
execute0_lowered:
.L_overlay_start_1:
0x0: {  	(tag) =	ssettag $0x1  }
0x1: {  	s3 =	rddreg [dreg:$0x0]  }
0x2: {  	s0 =	rddreg [dreg:$0x1];
	s4 =	srdreg.scid  }
0x3: {  	s2 =	simm.s32 $0x0;
	s1 =	stileid.u32;
	s9 =	simm.s32 $0x0  }
0x4: {  	s4 =	sand.u32 $0x1, s4;
	[smem:$0x7FF] =	sst s2;
	s6 =	sshll.u32 s1, $0x7  }
0x5: {  	s29 =	sshll.u32 s1, $0x4;
	s5 =	sshll.u32 s4, $0xB;
	_ =	strace $0x80000047  }
0x6: {  	s4 =	ssub.s32 $0x2, s4;
	s5 =	sor.u32 s6, s5;
	s6 =	sand.u32 $0x70, s29  }
0x7: {  	s30 =	sshrl.u32 s4, $0x1;
	s7 =	sadd.s32 s5, s3;
	s6 =	sadd.s32 s6, s3  }
0x8: {  	s5 =	sand.u32 $0xC00, s5;
	s8 =	ssub.s32 s4, s30;
	s3 =	sadd.s32 $0x600, s7  }
0x9: {  	s31 =	sadd.s32 s5, s6;
	s5 =	smax.u32 s8, $0x1;
	s6 =	simm.s32 $0x1  }
0xa: {  	v0 =	vimm.f32 $0.0e+00;
	v1 =	vimm.f32 $1.000000000e+00;
	s7 =	simm.s32 $0x400;
	s8 =	simm.s32 $0x80;
	s4 =	sadd.s32 $0x1600, s31  }
.LBB2_1:
0xb: {  	[tilespmem:s2], [sflag:$0x1] =	stream.linear.gather [hbm4b:s3+s2], $0x400, $0x38;
	[tilespmem:$0x800] =	vst v63  }
0xc: {  	_ =	swait.ge [sflag:s6], $0x400  }
0xd: {  	[sflag:s6] =	ssyncset.done $0x0  }
0xe: {  	s10 =	simm.s32 $0x0;
	[sflag:s6] =	ssyncadd.s32 $0xFFFFFC00  }
.LBB2_2:
0xf: {  	p0 =	sne.s32 s10, $0xFC0  }
.Ltmp0:
0x10: {  	_ = 	snop;
	(pc) =	sbr.rel @p0 .LBB2_2-.Ltmp0, $3  }
0x11: {  	_ =	sdelay $0x1  }
0x12: {  	s11 =	sshra.s32 s10, $0x2  }
0x13: {  	s10 =	sadd.s32 $0x40, s10;
	[tilespmem:s11+$0x400] =	vst v0  }
0x14: {  	s11 =	simm.s32 $0x0;
	s10 =	simm.s32 $0x40  }
.LBB2_4:
0x15: {  	p0 =	sne.s32 s10, $0xFC0;
	v2 =	vld [tilespmem:s11+$0x0];
	_ =	sdelay $0x3  }
.Ltmp1:
0x16: {  	(pc) =	sbr.rel @p0 .LBB2_4-.Ltmp1, $2  }
0x17: {  	_ =	sdelay $0x2  }
0x18: {  	s11 =	sshra.s32 s10, $0x2;
	s10 =	sadd.s32 $0x40, s10;
	[tilespmem:v2+s7+$0x0] =	vst.idx.add.f32.msk $0xffff, v1  }
0x19: {  	v2 =	vld [tilespmem:s11+$0x0];
	_ =	sdelay $0x5  }
0x1a: {  	s9 =	sadd.s32 $0x1, s9  }
0x1b: {  	p0 =	sne.s32 s9, s5  }
.Ltmp2:
0x1c: {  	[tilespmem:v2+s7+$0x0] =	vst.idx.add.f32.msk $0xffff, v1;
	(pc) =	sbr.rel @p0 .LBB2_1-.Ltmp2, $4  }
0x1d: {  	[hbm4b:s4+s8] =	stream.strided.scatter [tilespmem:s7], [sflag:$0x1], $0x400, s7, s8, $0x38;
	[tilespmem:$0x800] =	vst v63  }
0x1e: {  	_ =	swait.ge [sflag:s6], $0x400  }
0x1f: {  	[sflag:s6] =	ssyncset.done $0x0  }
0x20: {  	[sflag:s6] =	ssyncadd.s32 $0xFFFFFC00  }
0x21: {  	_ =	sfence.sel $0x180000  }
0x22: {  	[bflag:$0x0] =	sbarrier.arrive $0xFFFF  }
0x23: {  	p0 =	sne.s32 s1, $0x0;
	_ =	strace $0x90000047  }
0x24: {  	s0 =	sadd.s32 @!p0 $0x100000, s0;
	[bflag:$0x2] =	sbarrier.arrive $0xFFFF  }
0x25: {  	[sflag:s0] =	ssyncadd.tile.s32 @!p0 $0x1;
	_ =	shalt  }
.Lfunc_end2:
_tile_overlayer_lowered:
.L_overlay_start_2:
0x26: {  	(tag) =	ssettag $0x2  }
0x27: {  	s0 =	rddreg [dreg:$0x0];
	s2 =	stileid.u32  }
0x28: {  	s1 =	rddreg [dreg:$0x1];
	p0 =	sne.s32 s2, $0x0  }
0x29: {  	s3 =	rddreg [dreg:$0x2];
	[bflag:$0x3] =	sbarrier.arrive $0xFFFF;
	s2 =	simm.s32 @!p0 $0x1C01  }
0x2a: {  	[timem:s3], [sflag:s2] =	dma.local @!p0 [hbm:s0], s1  }
0x2b: {  	s0 =	simm.s32 @!p0 $0x1  }
0x2c: {  	_ =	swait.ge @!p0 [sflag:s0], s1  }
0x2d: {  	s1 =	ssub.s32 @!p0 $0x0, s1;
	[sflag:s0] =	ssyncset.done @!p0 $0x0  }
0x2e: {  	[sflag:s0] =	ssyncadd.s32 @!p0 s1  }
0x2f: {  	[bflag:$0x3] =	sbarrier.arrive $0xFFFF  }
0x30: {  	_ =	shalt  }

</sc_bundles>
